<compile_context>
chip_gen: v7x
topology: tpu7x:2x2x1
jax: 0.10.2.dev20260603
libtpu: 0.0.44.dev20260713+nightly
codegen_flags: <defaults>
</compile_context>

<pallas_src>
import functools

import jax
import jax.numpy as jnp
from jax.experimental import pallas as pl
from jax.experimental.pallas import tpu as pltpu

N = 16
K = 512 * 512
BK = 8192
THR = 0.8


def _reduce_kernel(a_ref, b_ref, inter_ref, aa_ref, ab_ref):
    k = pl.program_id(0)
    a = a_ref[...]
    b = b_ref[...]
    part = jax.lax.dot_general(
        a, b, (((1,), (1,)), ((), ())), preferred_element_type=jnp.float32
    )
    pa = jnp.sum(a, axis=1, keepdims=True)
    pb = jnp.sum(b, axis=1, keepdims=True)

    @pl.when(k == 0)
    def _():
        inter_ref[...] = part
        aa_ref[...] = pa
        ab_ref[...] = pb

    @pl.when(k != 0)
    def _():
        inter_ref[...] += part
        aa_ref[...] += pa
        ab_ref[...] += pb


def _apply_kernel(inter_ref, aa_ref, ab_ref, sa_ref, sb_ref, a_ref, b_ref, out_ref):
    inter = inter_ref[...]
    area_a = aa_ref[...]
    area_b = ab_ref[...]
    union = area_a + area_b.T - inter
    iou = jnp.where(union > 0, inter / jnp.maximum(union, 1e-8), 0.0)

    a_loses = sa_ref[...] <= sb_ref[...].T
    high = iou > THR
    partial = (iou > 0) & (~high)

    keep_a = 1.0 - jnp.any(high & a_loses, axis=1, keepdims=True).astype(jnp.float32)
    keep_b = 1.0 - jnp.any(high & (~a_loses), axis=0, keepdims=True).astype(
        jnp.float32
    ).T
    w_a = (partial & a_loses).astype(jnp.float32)
    w_b = (partial & (~a_loses)).astype(jnp.float32)

    a = a_ref[...]
    b = b_ref[...]
    region_a = jax.lax.dot_general(
        w_a, b, (((1,), (0,)), ((), ())), preferred_element_type=jnp.float32
    )
    region_b = jax.lax.dot_general(
        w_b, a, (((0,), (0,)), ((), ())), preferred_element_type=jnp.float32
    )
    out_ref[0] = jnp.where(region_a > 0, 0.0, a) * keep_a
    out_ref[1] = jnp.where(region_b > 0, 0.0, b) * keep_b


def _run(masks_a, masks_b, scores_a, scores_b):
    a2 = masks_a.reshape(N, K)
    b2 = masks_b.reshape(N, K)
    sa = scores_a.reshape(N, 1)
    sb = scores_b.reshape(N, 1)
    nblk = K // BK

    inter, aa, ab = pl.pallas_call(
        _reduce_kernel,
        grid=(nblk,),
        in_specs=[
            pl.BlockSpec((N, BK), lambda k: (0, k)),
            pl.BlockSpec((N, BK), lambda k: (0, k)),
        ],
        out_specs=[
            pl.BlockSpec((N, N), lambda k: (0, 0)),
            pl.BlockSpec((N, 1), lambda k: (0, 0)),
            pl.BlockSpec((N, 1), lambda k: (0, 0)),
        ],
        out_shape=[
            jax.ShapeDtypeStruct((N, N), jnp.float32),
            jax.ShapeDtypeStruct((N, 1), jnp.float32),
            jax.ShapeDtypeStruct((N, 1), jnp.float32),
        ],
    )(a2, b2)

    out = pl.pallas_call(
        _apply_kernel,
        grid=(nblk,),
        in_specs=[
            pl.BlockSpec((N, N), lambda k: (0, 0)),
            pl.BlockSpec((N, 1), lambda k: (0, 0)),
            pl.BlockSpec((N, 1), lambda k: (0, 0)),
            pl.BlockSpec((N, 1), lambda k: (0, 0)),
            pl.BlockSpec((N, 1), lambda k: (0, 0)),
            pl.BlockSpec((N, BK), lambda k: (0, k)),
            pl.BlockSpec((N, BK), lambda k: (0, k)),
        ],
        out_specs=pl.BlockSpec((2, N, BK), lambda k: (0, 0, k)),
        out_shape=jax.ShapeDtypeStruct((2, N, K), jnp.float32),
    )(inter, aa, ab, sa, sb, a2, b2)

    return out.reshape(2, N, 512, 512)


@jax.jit
def kernel(masks_a, masks_b, scores_a, scores_b):
    return _run(masks_a, masks_b, scores_a, scores_b)

# --- scband reference (transcript-rebuilt; emitter-appended) ---
"""Pipeline reference for scband-class-overlap-mask-filter-89026082111536 (READ-ONLY COPY).

The authoritative reference and input builder live on the scoring server;
editing this copy changes nothing except your own understanding.
"""

import jax, jax.numpy as jnp
import numpy as np


def setup_inputs(seed: int = 0) -> dict:
    key = jax.random.key(seed)
    k1, k2, k3, k4 = jax.random.split(key, 4)
    return {
        "masks_a": jax.random.uniform(k1, (16, 512, 512), dtype=jnp.float32),
        "masks_b": jax.random.uniform(k2, (16, 512, 512), dtype=jnp.float32),
        "scores_a": jax.random.uniform(k3, (16,), dtype=jnp.float32),
        "scores_b": jax.random.uniform(k4, (16,), dtype=jnp.float32),
    }


def _filter(masks_a, masks_b, scores_a, scores_b, thr=0.8):
    # pairwise mask IoU between label-a masks and label-b masks
    inter = jnp.einsum('ihw,jhw->ij', masks_a, masks_b)  # [Na, Nb]
    area_a = jnp.sum(masks_a, axis=(1, 2))
    area_b = jnp.sum(masks_b, axis=(1, 2))
    union = area_a[:, None] + area_b[None, :] - inter
    iou = jnp.where(union > 0, inter / jnp.maximum(union, 1e-8), 0.0)

    # if fg score of a-mask > fg score of b-mask, the b-mask loses, else the a-mask loses
    a_loses = scores_a[:, None] <= scores_b[None, :]  # [Na, Nb]
    high = iou > thr
    partial = (iou > 0) & (~high)

    # high-overlap pairs: drop the lower-scoring mask entirely
    drop_a = jnp.any(high & a_loses, axis=1)   # [Na]
    drop_b = jnp.any(high & (~a_loses), axis=0)  # [Nb]

    # partial-overlap pairs: zero the intersection region in the lower-scoring mask
    w_a = (partial & a_loses).astype(masks_a.dtype)      # pairs where a gets zeroed by b
    w_b = (partial & (~a_loses)).astype(masks_b.dtype)   # pairs where b gets zeroed by a
    region_a = (jnp.einsum('ij,jhw->ihw', w_a, masks_b) > 0).astype(masks_a.dtype)
    region_b = (jnp.einsum('ij,ihw->jhw', w_b, masks_a) > 0).astype(masks_b.dtype)

    keep_a = (~drop_a).astype(masks_a.dtype)
    keep_b = (~drop_b).astype(masks_b.dtype)
    a_new = masks_a * (1.0 - region_a) * keep_a[:, None, None]
    b_new = masks_b * (1.0 - region_b) * keep_b[:, None, None]
    return jnp.stack([a_new, b_new], axis=0)  # [2, N, H, W]


def reference(masks_a, masks_b, scores_a, scores_b):
    return _filter(masks_a, masks_b, scores_a, scores_b, thr=0.8)

if __name__ == "__main__":
    import jax
    _d = setup_inputs()
    print(jax.jit(kernel)(*tuple(_d.values())))

</pallas_src>

<mosaic_0001>
module attributes {stable_mosaic.version = 14 : i64} {
  func.func @_reduce_kernel(%arg0: i32, %arg1: memref<16x8192xf32, #tpu.memory_space<vmem>>, %arg2: memref<16x8192xf32, #tpu.memory_space<vmem>>, %arg3: memref<16x16xf32, #tpu.memory_space<vmem>>, %arg4: memref<16x1xf32, #tpu.memory_space<vmem>>, %arg5: memref<16x1xf32, #tpu.memory_space<vmem>>) attributes {dimension_semantics = [#tpu.dimension_semantics<arbitrary>], iteration_bounds = array<i64: 32>, scalar_prefetch = 0 : i64, scratch_operands = 0 : i64, tpu.core_type = #tpu.core_type<tc>, window_params = [{transform_indices = @transform_0, window_bounds = array<i64: 16, 8192>}, {transform_indices = @transform_1, window_bounds = array<i64: 16, 8192>}, {pipeline_mode = #tpu.pipeline_mode<synchronous>, transform_indices = @transform_2, window_bounds = array<i64: 16, 16>}, {pipeline_mode = #tpu.pipeline_mode<synchronous>, transform_indices = @transform_3, window_bounds = array<i64: 16, 1>}, {pipeline_mode = #tpu.pipeline_mode<synchronous>, transform_indices = @transform_4, window_bounds = array<i64: 16, 1>}]} {
    %get3A = arith.constant 0 : index
    %get3A_0 = arith.constant 0 : index
    %get3A_1 = vector.load %arg1[%get3A, %get3A_0] : memref<16x8192xf32, #tpu.memory_space<vmem>>, vector<16x8192xf32>
    %get3A_2 = arith.constant 0 : index
    %get3A_3 = arith.constant 0 : index
    %get3A_4 = vector.load %arg2[%get3A_2, %get3A_3] : memref<16x8192xf32, #tpu.memory_space<vmem>>, vector<16x8192xf32>
    %dot_general3A = arith.constant dense<0.000000e+00> : vector<16x16xf32>
    %dot_general3A_5 = tpu.matmul %get3A_1, %get3A_4, %dot_general3A {dimension_numbers = #tpu.dot_dimension_numbers<[1], [1], [0], [0], [0, 0, 1, 0], [], []>, transpose_lhs_hint = false} : vector<16x8192xf32>, vector<16x8192xf32>, vector<16x16xf32> -> vector<16x16xf32>
    %reduce_sum3A = arith.constant dense<0.000000e+00> : vector<16xf32>
    %reduce_sum3A_6 = vector.multi_reduction <add>, %get3A_1, %reduce_sum3A [1] : vector<16x8192xf32> to vector<16xf32>
    %broadcast_in_dim3A = vector.shape_cast %reduce_sum3A_6 : vector<16xf32> to vector<16x1xf32>
    %reduce_sum3A_7 = arith.constant dense<0.000000e+00> : vector<16xf32>
    %reduce_sum3A_8 = vector.multi_reduction <add>, %get3A_4, %reduce_sum3A_7 [1] : vector<16x8192xf32> to vector<16xf32>
    %broadcast_in_dim3A_9 = vector.shape_cast %reduce_sum3A_8 : vector<16xf32> to vector<16x1xf32>
    %eq3A = arith.constant 0 : i32
    %eq3A_10 = arith.cmpi eq, %arg0, %eq3A : i32
    %convert_element_type3A = arith.extui %eq3A_10 : i1 to i32
    %cond3A = arith.constant 0 : i32
    %cond3A_11 = arith.cmpi ne, %convert_element_type3A, %cond3A : i32
    scf.if %cond3A_11 {
      %swap3A = arith.constant 0 : index
      %swap3A_16 = arith.constant 0 : index
      %swap3A_17 = vector.load %arg3[%swap3A, %swap3A_16] : memref<16x16xf32, #tpu.memory_space<vmem>>, vector<16x16xf32>
      tpu.vector_store %arg3[%swap3A, %swap3A_16], %dot_general3A_5 {strides = array<i32>} : memref<16x16xf32, #tpu.memory_space<vmem>>, vector<16x16xf32>,
      %swap3A_18 = arith.constant 0 : index
      %swap3A_19 = arith.constant 0 : index
      %swap3A_20 = vector.load %arg4[%swap3A_18, %swap3A_19] : memref<16x1xf32, #tpu.memory_space<vmem>>, vector<16x1xf32>
      tpu.vector_store %arg4[%swap3A_18, %swap3A_19], %broadcast_in_dim3A {strides = array<i32>} : memref<16x1xf32, #tpu.memory_space<vmem>>, vector<16x1xf32>,
      %swap3A_21 = arith.constant 0 : index
      %swap3A_22 = arith.constant 0 : index
      %swap3A_23 = vector.load %arg5[%swap3A_21, %swap3A_22] : memref<16x1xf32, #tpu.memory_space<vmem>>, vector<16x1xf32>
      tpu.vector_store %arg5[%swap3A_21, %swap3A_22], %broadcast_in_dim3A_9 {strides = array<i32>} : memref<16x1xf32, #tpu.memory_space<vmem>>, vector<16x1xf32>,
    } else {
    }
    %ne3A = arith.constant 0 : i32
    %ne3A_12 = arith.cmpi ne, %arg0, %ne3A : i32
    %convert_element_type3A_13 = arith.extui %ne3A_12 : i1 to i32
    %cond3A_14 = arith.constant 0 : i32
    %cond3A_15 = arith.cmpi ne, %convert_element_type3A_13, %cond3A_14 : i32
    scf.if %cond3A_15 {
      %get3A_16 = arith.constant 0 : index
      %get3A_17 = arith.constant 0 : index
      %get3A_18 = vector.load %arg3[%get3A_16, %get3A_17] : memref<16x16xf32, #tpu.memory_space<vmem>>, vector<16x16xf32>
      %add3A = arith.addf %get3A_18, %dot_general3A_5 : vector<16x16xf32>
      %swap3A = arith.constant 0 : index
      %swap3A_19 = arith.constant 0 : index
      %swap3A_20 = vector.load %arg3[%swap3A, %swap3A_19] : memref<16x16xf32, #tpu.memory_space<vmem>>, vector<16x16xf32>
      tpu.vector_store %arg3[%swap3A, %swap3A_19], %add3A {strides = array<i32>} : memref<16x16xf32, #tpu.memory_space<vmem>>, vector<16x16xf32>,
      %get3A_21 = arith.constant 0 : index
      %get3A_22 = arith.constant 0 : index
      %get3A_23 = vector.load %arg4[%get3A_21, %get3A_22] : memref<16x1xf32, #tpu.memory_space<vmem>>, vector<16x1xf32>
      %add3A_24 = arith.addf %get3A_23, %broadcast_in_dim3A : vector<16x1xf32>
      %swap3A_25 = arith.constant 0 : index
      %swap3A_26 = arith.constant 0 : index
      %swap3A_27 = vector.load %arg4[%swap3A_25, %swap3A_26] : memref<16x1xf32, #tpu.memory_space<vmem>>, vector<16x1xf32>
      tpu.vector_store %arg4[%swap3A_25, %swap3A_26], %add3A_24 {strides = array<i32>} : memref<16x1xf32, #tpu.memory_space<vmem>>, vector<16x1xf32>,
      %get3A_28 = arith.constant 0 : index
      %get3A_29 = arith.constant 0 : index
      %get3A_30 = vector.load %arg5[%get3A_28, %get3A_29] : memref<16x1xf32, #tpu.memory_space<vmem>>, vector<16x1xf32>
      %add3A_31 = arith.addf %get3A_30, %broadcast_in_dim3A_9 : vector<16x1xf32>
      %swap3A_32 = arith.constant 0 : index
      %swap3A_33 = arith.constant 0 : index
      %swap3A_34 = vector.load %arg5[%swap3A_32, %swap3A_33] : memref<16x1xf32, #tpu.memory_space<vmem>>, vector<16x1xf32>
      tpu.vector_store %arg5[%swap3A_32, %swap3A_33], %add3A_31 {strides = array<i32>} : memref<16x1xf32, #tpu.memory_space<vmem>>, vector<16x1xf32>,
    } else {
    }
    return
  }
  func.func @transform_0(%arg0: i32) -> (i32, i32) {
    %c0_i32 = arith.constant 0 : i32
    %c0_i32_0 = arith.constant 0 : i32
    return %c0_i32, %arg0 : i32, i32
  }
  func.func @transform_1(%arg0: i32) -> (i32, i32) {
    %c0_i32 = arith.constant 0 : i32
    %c0_i32_0 = arith.constant 0 : i32
    return %c0_i32, %arg0 : i32, i32
  }
  func.func @transform_2(%arg0: i32) -> (i32, i32) {
    %c0_i32 = arith.constant 0 : i32
    %c0_i32_0 = arith.constant 0 : i32
    %c0_i32_1 = arith.constant 0 : i32
    return %c0_i32, %c0_i32_0 : i32, i32
  }
  func.func @transform_3(%arg0: i32) -> (i32, i32) {
    %c0_i32 = arith.constant 0 : i32
    %c0_i32_0 = arith.constant 0 : i32
    %c0_i32_1 = arith.constant 0 : i32
    return %c0_i32, %c0_i32_0 : i32, i32
  }
  func.func @transform_4(%arg0: i32) -> (i32, i32) {
    %c0_i32 = arith.constant 0 : i32
    %c0_i32_0 = arith.constant 0 : i32
    %c0_i32_1 = arith.constant 0 : i32
    return %c0_i32, %c0_i32_0 : i32, i32
  }
}

module attributes {stable_mosaic.version = 14 : i64} {
  func.func @_apply_kernel(%arg0: i32, %arg1: memref<16x16xf32, #tpu.memory_space<vmem>>, %arg2: memref<16x1xf32, #tpu.memory_space<vmem>>, %arg3: memref<16x1xf32, #tpu.memory_space<vmem>>, %arg4: memref<16x1xf32, #tpu.memory_space<vmem>>, %arg5: memref<16x1xf32, #tpu.memory_space<vmem>>, %arg6: memref<16x8192xf32, #tpu.memory_space<vmem>>, %arg7: memref<16x8192xf32, #tpu.memory_space<vmem>>, %arg8: memref<2x16x8192xf32, #tpu.memory_space<vmem>>) attributes {dimension_semantics = [#tpu.dimension_semantics<arbitrary>], iteration_bounds = array<i64: 32>, scalar_prefetch = 0 : i64, scratch_operands = 0 : i64, tpu.core_type = #tpu.core_type<tc>, window_params = [{pipeline_mode = #tpu.pipeline_mode<synchronous>, transform_indices = @transform_0, window_bounds = array<i64: 16, 16>}, {pipeline_mode = #tpu.pipeline_mode<synchronous>, transform_indices = @transform_1, window_bounds = array<i64: 16, 1>}, {pipeline_mode = #tpu.pipeline_mode<synchronous>, transform_indices = @transform_2, window_bounds = array<i64: 16, 1>}, {pipeline_mode = #tpu.pipeline_mode<synchronous>, transform_indices = @transform_3, window_bounds = array<i64: 16, 1>}, {pipeline_mode = #tpu.pipeline_mode<synchronous>, transform_indices = @transform_4, window_bounds = array<i64: 16, 1>}, {transform_indices = @transform_5, window_bounds = array<i64: 16, 8192>}, {transform_indices = @transform_6, window_bounds = array<i64: 16, 8192>}, {transform_indices = @transform_7, window_bounds = array<i64: 2, 16, 8192>}]} {
    %get3A = arith.constant 0 : index
    %get3A_0 = arith.constant 0 : index
    %get3A_1 = vector.load %arg1[%get3A, %get3A_0] : memref<16x16xf32, #tpu.memory_space<vmem>>, vector<16x16xf32>
    %get3A_2 = arith.constant 0 : index
    %get3A_3 = arith.constant 0 : index
    %get3A_4 = vector.load %arg2[%get3A_2, %get3A_3] : memref<16x1xf32, #tpu.memory_space<vmem>>, vector<16x1xf32>
    %get3A_5 = arith.constant 0 : index
    %get3A_6 = arith.constant 0 : index
    %get3A_7 = vector.load %arg3[%get3A_5, %get3A_6] : memref<16x1xf32, #tpu.memory_space<vmem>>, vector<16x1xf32>
    %transpose3A = tpu.transpose %get3A_7, [1, 0] : vector<16x1xf32> -> vector<1x16xf32>
    %add3A = vector.broadcast %get3A_4 : vector<16x1xf32> to vector<16x16xf32>
    %add3A_8 = vector.broadcast %transpose3A : vector<1x16xf32> to vector<16x16xf32>
    %add3A_9 = arith.addf %add3A, %add3A_8 : vector<16x16xf32>
    %sub3A = arith.subf %add3A_9, %get3A_1 : vector<16x16xf32>
    %gt3A = arith.constant 0.000000e+00 : f32
    %gt3A_10 = vector.broadcast %gt3A : f32 to vector<16x16xf32>
    %gt3A_11 = arith.cmpf ogt, %sub3A, %gt3A_10 : vector<16x16xf32>
    %max3A = arith.constant 9.99999993E-9 : f32
    %max3A_12 = vector.broadcast %max3A : f32 to vector<16x16xf32>
    %max3A_13 = arith.maximumf %sub3A, %max3A_12 : vector<16x16xf32>
    %div3A = arith.divf %get3A_1, %max3A_13 : vector<16x16xf32>
    %jit3A = arith.constant 0.000000e+00 : f32
    %broadcast_in_dim3A = vector.broadcast %jit3A : f32 to vector<16x16xf32>
    %select_n3A = arith.select %gt3A_11, %div3A, %broadcast_in_dim3A : vector<16x16xi1>, vector<16x16xf32>
    %get3A_14 = arith.constant 0 : index
    %get3A_15 = arith.constant 0 : index
    %get3A_16 = vector.load %arg4[%get3A_14, %get3A_15] : memref<16x1xf32, #tpu.memory_space<vmem>>, vector<16x1xf32>
    %get3A_17 = arith.constant 0 : index
    %get3A_18 = arith.constant 0 : index
    %get3A_19 = vector.load %arg5[%get3A_17, %get3A_18] : memref<16x1xf32, #tpu.memory_space<vmem>>, vector<16x1xf32>
    %transpose3A_20 = tpu.transpose %get3A_19, [1, 0] : vector<16x1xf32> -> vector<1x16xf32>
    %le3A = vector.broadcast %get3A_16 : vector<16x1xf32> to vector<16x16xf32>
    %le3A_21 = vector.broadcast %transpose3A_20 : vector<1x16xf32> to vector<16x16xf32>
    %le3A_22 = arith.cmpf ole, %le3A, %le3A_21 : vector<16x16xf32>
    %gt3A_23 = arith.constant 8.000000e-01 : f32
    %gt3A_24 = vector.broadcast %gt3A_23 : f32 to vector<16x16xf32>
    %gt3A_25 = arith.cmpf ogt, %select_n3A, %gt3A_24 : vector<16x16xf32>
    %gt3A_26 = arith.constant 0.000000e+00 : f32
    %gt3A_27 = vector.broadcast %gt3A_26 : f32 to vector<16x16xf32>
    %gt3A_28 = arith.cmpf ogt, %select_n3A, %gt3A_27 : vector<16x16xf32>
    %not3A = arith.constant dense<true> : vector<16x16xi1>
    %not3A_29 = arith.xori %gt3A_25, %not3A : vector<16x16xi1>
    %and3A = arith.andi %gt3A_28, %not3A_29 : vector<16x16xi1>
    %and3A_30 = arith.andi %gt3A_25, %le3A_22 : vector<16x16xi1>
    %reduce_or3A = arith.constant 1.000000e+00 : f32
    %reduce_or3A_31 = arith.constant 0.000000e+00 : f32
    %reduce_or3A_32 = vector.broadcast %reduce_or3A : f32 to vector<16x16xf32>
    %reduce_or3A_33 = vector.broadcast %reduce_or3A_31 : f32 to vector<16x16xf32>
    %reduce_or3A_34 = arith.select %and3A_30, %reduce_or3A_32, %reduce_or3A_33 : vector<16x16xi1>, vector<16x16xf32>
    %reduce_or3A_35 = arith.constant dense<0xFF800000> : vector<16xf32>
    %reduce_or3A_36 = vector.multi_reduction <maximumf>, %reduce_or3A_34, %reduce_or3A_35 [1] : vector<16x16xf32> to vector<16xf32>
    %reduce_or3A_37 = arith.constant 0.000000e+00 : f32
    %reduce_or3A_38 = vector.broadcast %reduce_or3A_37 : f32 to vector<16xf32>
    %reduce_or3A_39 = arith.cmpf ogt, %reduce_or3A_36, %reduce_or3A_38 : vector<16xf32>
    %broadcast_in_dim3A_40 = vector.shape_cast %reduce_or3A_39 : vector<16xi1> to vector<16x1xi1>
    %convert_element_type3A = arith.extui %broadcast_in_dim3A_40 : vector<16x1xi1> to vector<16x1xi32>
    %convert_element_type3A_41 = arith.sitofp %convert_element_type3A : vector<16x1xi32> to vector<16x1xf32>
    %sub3A_42 = arith.constant 1.000000e+00 : f32
    %sub3A_43 = vector.broadcast %sub3A_42 : f32 to vector<16x1xf32>
    %sub3A_44 = arith.subf %sub3A_43, %convert_element_type3A_41 : vector<16x1xf32>
    %not3A_45 = arith.constant dense<true> : vector<16x16xi1>
    %not3A_46 = arith.xori %le3A_22, %not3A_45 : vector<16x16xi1>
    %and3A_47 = arith.andi %gt3A_25, %not3A_46 : vector<16x16xi1>
    %reduce_or3A_48 = arith.constant 1.000000e+00 : f32
    %reduce_or3A_49 = arith.constant 0.000000e+00 : f32
    %reduce_or3A_50 = vector.broadcast %reduce_or3A_48 : f32 to vector<16x16xf32>
    %reduce_or3A_51 = vector.broadcast %reduce_or3A_49 : f32 to vector<16x16xf32>
    %reduce_or3A_52 = arith.select %and3A_47, %reduce_or3A_50, %reduce_or3A_51 : vector<16x16xi1>, vector<16x16xf32>
    %reduce_or3A_53 = arith.constant dense<0xFF800000> : vector<16xf32>
    %reduce_or3A_54 = vector.multi_reduction <maximumf>, %reduce_or3A_52, %reduce_or3A_53 [0] : vector<16x16xf32> to vector<16xf32>
    %reduce_or3A_55 = arith.constant 0.000000e+00 : f32
    %reduce_or3A_56 = vector.broadcast %reduce_or3A_55 : f32 to vector<16xf32>
    %reduce_or3A_57 = arith.cmpf ogt, %reduce_or3A_54, %reduce_or3A_56 : vector<16xf32>
    %broadcast_in_dim3A_58 = vector.shape_cast %reduce_or3A_57 : vector<16xi1> to vector<1x16xi1>
    %convert_element_type3A_59 = arith.extui %broadcast_in_dim3A_58 : vector<1x16xi1> to vector<1x16xi32>
    %convert_element_type3A_60 = arith.sitofp %convert_element_type3A_59 : vector<1x16xi32> to vector<1x16xf32>
    %transpose3A_61 = tpu.transpose %convert_element_type3A_60, [1, 0] : vector<1x16xf32> -> vector<16x1xf32>
    %sub3A_62 = arith.constant 1.000000e+00 : f32
    %sub3A_63 = vector.broadcast %sub3A_62 : f32 to vector<16x1xf32>
    %sub3A_64 = arith.subf %sub3A_63, %transpose3A_61 : vector<16x1xf32>
    %and3A_65 = arith.andi %and3A, %le3A_22 : vector<16x16xi1>
    %convert_element_type3A_66 = arith.extui %and3A_65 : vector<16x16xi1> to vector<16x16xi32>
    %convert_element_type3A_67 = arith.sitofp %convert_element_type3A_66 : vector<16x16xi32> to vector<16x16xf32>
    %not3A_68 = arith.constant dense<true> : vector<16x16xi1>
    %not3A_69 = arith.xori %le3A_22, %not3A_68 : vector<16x16xi1>
    %and3A_70 = arith.andi %and3A, %not3A_69 : vector<16x16xi1>
    %convert_element_type3A_71 = arith.extui %and3A_70 : vector<16x16xi1> to vector<16x16xi32>
    %convert_element_type3A_72 = arith.sitofp %convert_element_type3A_71 : vector<16x16xi32> to vector<16x16xf32>
    %get3A_73 = arith.constant 0 : index
    %get3A_74 = arith.constant 0 : index
    %get3A_75 = vector.load %arg6[%get3A_73, %get3A_74] : memref<16x8192xf32, #tpu.memory_space<vmem>>, vector<16x8192xf32>
    %get3A_76 = arith.constant 0 : index
    %get3A_77 = arith.constant 0 : index
    %get3A_78 = vector.load %arg7[%get3A_76, %get3A_77] : memref<16x8192xf32, #tpu.memory_space<vmem>>, vector<16x8192xf32>
    %dot_general3A = arith.constant dense<0.000000e+00> : vector<16x8192xf32>
    %dot_general3A_79 = tpu.matmul %convert_element_type3A_67, %get3A_78, %dot_general3A {dimension_numbers = #tpu.dot_dimension_numbers<[1], [0], [0], [1], [0, 0, 1, 1], [], []>, transpose_lhs_hint = false} : vector<16x16xf32>, vector<16x8192xf32>, vector<16x8192xf32> -> vector<16x8192xf32>
    %dot_general3A_80 = arith.constant dense<0.000000e+00> : vector<16x8192xf32>
    %dot_general3A_81 = tpu.matmul %convert_element_type3A_72, %get3A_75, %dot_general3A_80 {dimension_numbers = #tpu.dot_dimension_numbers<[0], [0], [1], [1], [0, 1, 1, 1], [], []>, transpose_lhs_hint = false} : vector<16x16xf32>, vector<16x8192xf32>, vector<16x8192xf32> -> vector<16x8192xf32>
    %gt3A_82 = arith.constant 0.000000e+00 : f32
    %gt3A_83 = vector.broadcast %gt3A_82 : f32 to vector<16x8192xf32>
    %gt3A_84 = arith.cmpf ogt, %dot_general3A_79, %gt3A_83 : vector<16x8192xf32>
    %jit3A_85 = arith.constant 0.000000e+00 : f32
    %broadcast_in_dim3A_86 = vector.broadcast %jit3A_85 : f32 to vector<16x8192xf32>
    %select_n3A_87 = arith.select %gt3A_84, %broadcast_in_dim3A_86, %get3A_75 : vector<16x8192xi1>, vector<16x8192xf32>
    %mul3A = vector.broadcast %sub3A_44 : vector<16x1xf32> to vector<16x8192xf32>
    %mul3A_88 = arith.mulf %select_n3A_87, %mul3A : vector<16x8192xf32>
    %swap3A = arith.constant 0 : index
    %swap3A_89 = arith.constant 0 : index
    %swap3A_90 = arith.constant 0 : index
    %swap3A_91 = vector.load %arg8[%swap3A, %swap3A_89, %swap3A_90] : memref<2x16x8192xf32, #tpu.memory_space<vmem>>, vector<1x16x8192xf32>
    %swap3A_92 = vector.shape_cast %swap3A_91 : vector<1x16x8192xf32> to vector<16x8192xf32>
    %swap3A_93 = vector.shape_cast %mul3A_88 : vector<16x8192xf32> to vector<1x16x8192xf32>
    tpu.vector_store %arg8[%swap3A, %swap3A_89, %swap3A_90], %swap3A_93 {strides = array<i32>} : memref<2x16x8192xf32, #tpu.memory_space<vmem>>, vector<1x16x8192xf32>,
    %gt3A_94 = arith.constant 0.000000e+00 : f32
    %gt3A_95 = vector.broadcast %gt3A_94 : f32 to vector<16x8192xf32>
    %gt3A_96 = arith.cmpf ogt, %dot_general3A_81, %gt3A_95 : vector<16x8192xf32>
    %jit3A_97 = arith.constant 0.000000e+00 : f32
    %broadcast_in_dim3A_98 = vector.broadcast %jit3A_97 : f32 to vector<16x8192xf32>
    %select_n3A_99 = arith.select %gt3A_96, %broadcast_in_dim3A_98, %get3A_78 : vector<16x8192xi1>, vector<16x8192xf32>
    %mul3A_100 = vector.broadcast %sub3A_64 : vector<16x1xf32> to vector<16x8192xf32>
    %mul3A_101 = arith.mulf %select_n3A_99, %mul3A_100 : vector<16x8192xf32>
    %swap3A_102 = arith.constant 1 : index
    %swap3A_103 = arith.constant 0 : index
    %swap3A_104 = arith.constant 0 : index
    %swap3A_105 = vector.load %arg8[%swap3A_102, %swap3A_103, %swap3A_104] : memref<2x16x8192xf32, #tpu.memory_space<vmem>>, vector<1x16x8192xf32>
    %swap3A_106 = vector.shape_cast %swap3A_105 : vector<1x16x8192xf32> to vector<16x8192xf32>
    %swap3A_107 = vector.shape_cast %mul3A_101 : vector<16x8192xf32> to vector<1x16x8192xf32>
    tpu.vector_store %arg8[%swap3A_102, %swap3A_103, %swap3A_104], %swap3A_107 {strides = array<i32>} : memref<2x16x8192xf32, #tpu.memory_space<vmem>>, vector<1x16x8192xf32>,
    return
  }
  func.func @transform_0(%arg0: i32) -> (i32, i32) {
    %c0_i32 = arith.constant 0 : i32
    %c0_i32_0 = arith.constant 0 : i32
    %c0_i32_1 = arith.constant 0 : i32
    return %c0_i32, %c0_i32_0 : i32, i32
  }
  func.func @transform_1(%arg0: i32) -> (i32, i32) {
    %c0_i32 = arith.constant 0 : i32
    %c0_i32_0 = arith.constant 0 : i32
    %c0_i32_1 = arith.constant 0 : i32
    return %c0_i32, %c0_i32_0 : i32, i32
  }
  func.func @transform_2(%arg0: i32) -> (i32, i32) {
    %c0_i32 = arith.constant 0 : i32
    %c0_i32_0 = arith.constant 0 : i32
    %c0_i32_1 = arith.constant 0 : i32
    return %c0_i32, %c0_i32_0 : i32, i32
  }
  func.func @transform_3(%arg0: i32) -> (i32, i32) {
    %c0_i32 = arith.constant 0 : i32
    %c0_i32_0 = arith.constant 0 : i32
    %c0_i32_1 = arith.constant 0 : i32
    return %c0_i32, %c0_i32_0 : i32, i32
  }
  func.func @transform_4(%arg0: i32) -> (i32, i32) {
    %c0_i32 = arith.constant 0 : i32
    %c0_i32_0 = arith.constant 0 : i32
    %c0_i32_1 = arith.constant 0 : i32
    return %c0_i32, %c0_i32_0 : i32, i32
  }
  func.func @transform_5(%arg0: i32) -> (i32, i32) {
    %c0_i32 = arith.constant 0 : i32
    %c0_i32_0 = arith.constant 0 : i32
    return %c0_i32, %arg0 : i32, i32
  }
  func.func @transform_6(%arg0: i32) -> (i32, i32) {
    %c0_i32 = arith.constant 0 : i32
    %c0_i32_0 = arith.constant 0 : i32
    return %c0_i32, %arg0 : i32, i32
  }
  func.func @transform_7(%arg0: i32) -> (i32, i32, i32) {
    %c0_i32 = arith.constant 0 : i32
    %c0_i32_0 = arith.constant 0 : i32
    %c0_i32_1 = arith.constant 0 : i32
    return %c0_i32, %c0_i32_0, %arg0 : i32, i32, i32
  }
}

</mosaic_0001>

<sc_bundles>
// kernel: sparse-core-data-format-call.cloned.1.call-start
scs
called_computation_lowered:
.L_overlay_start_0:
0x0: {  	s2 =	sld [smem:$0x3FD9]  }
0x1: {  	s3 =	sld [smem:$0x3FFE];
	_ =	sdelay $0x1  }
0x2: {  	s1 =	srdreg.scid  }
0x3: {  	s0 =	sand.u32 $0x1, s1  }
0x4: {  	s18 =	sshll.u32 s0, $0xA;
	s2 =	sadd.s32 s3, s2  }
0x5: {  	s2 =	sadd.s32 s2, s18  }
0x6: {  	[smem:$0x3FC4] =	sst s2  }
0x7: {  	_ = 	snop  }
0x8: {  	s2 =	sld [smem:$0x3FD0];
	(tm) =	ssettm $0x1  }
0x9: {  	s19 =	sld [smem:$0x3FFB];
	_ =	sdelay $0x3  }
0xa: {  	_ =	strace s19  }
0xb: {  	s3 =	sld [smem:$0x3FFC];
	_ =	sdelay $0x3  }
0xc: {  	_ =	strace s3  }
0xd: {  	s3 =	sld [smem:$0x3FFD];
	_ =	sdelay $0x3  }
0xe: {  	_ =	strace s3  }
0xf: {  	_ =	strace $0x8FFFFFFF  }
0x10: {  	s20 =	sld [smem:$0x3FDB];
	_ =	sdelay $0x1  }
0x11: {  	s4 =	simm.s32 $_scs_section_size  }
0x12: {  	s5 =	simm.s32 $_size__tile_overlayer_lowered;
	s6 =	simm.s32 $_tile_overlayer_lowered  }
0x13: {  	s23 =	simm.s32 $0x1BFF;
	s22 =	sshll.u32 s6, $0x1;
	s3 =	sadd.s32 s4, s20  }
0x14: {  	s7 =	simm.s32 $0x0;
	s21 =	sshll.u32 s5, $0x1;
	s5 =	sadd.s32 s22, s3  }
0x15: {  	[timem:s7], [sflag:s23] =	dma.local [hbm:s5], s21  }
0x16: {  	_ =	swait.ge [sflag:s23], s21  }
0x17: {  	s4 =	ssub.s32 $0x0, s21;
	[sflag:s23] =	ssyncset.done $0x0  }
0x18: {  	[sflag:s23] =	ssyncadd.s32 s4;
	_ =	sdelay $0x1  }
0x19: {  	s24 =	simm.s32 $0x1B8B  }
0x1a: {  	_ =	swait.ge [sflag:s24], $0x1  }
0x1b: {  	[sflag:s24] =	ssyncset.done $0x0  }
0x1c: {  	s26 =	simm.s32 $0x1B8E;
	s25 =	sld [smem:$0x3FFE];
	[sflag:s24] =	ssyncadd.s32 $0xFFFFFFFF  }
0x1d: {  	s27 =	simm.s32 $execute0_lowered;
	[smem:$0x3FD2] =	sst s26  }
0x1e: {  	s5 =	sshll.u32 s27, $0x1;
	_ =	strace $0x80000046;
	[dreg:$0x1] =	wrdreg $0xFFFFFFFF  }
0x1f: {  	s28 =	simm.s32 $_size_execute0_lowered;
	s3 =	sadd.s32 s3, s5;
	[dreg:$0x0] =	wrdreg $0x0  }
0x20: {  	s5 =	sshll.u32 s28, $0x1;
	[dreg:$0x2] =	wrdreg s3  }
0x21: {  	[dreg:$0x3] =	wrdreg s5  }
0x22: {  	[dreg:$0x4] =	wrdreg $0xC0  }
0x23: {  	_ =	task [dreg:s7], $0x5FFFF  }
0x24: {  	[dreg:$0x1] =	wrdreg $0xFFFFFFFF  }
0x25: {  	[dreg:$0x0] =	wrdreg $0x60  }
0x26: {  	[dreg:$0x2] =	wrdreg s25  }
0x27: {  	[dreg:$0x3] =	wrdreg s2  }
0x28: {  	[dreg:$0x4] =	wrdreg $0x9  }
0x29: {  	_ =	task.clear_ibuf [dreg:s7], $0x5FFFF;
	_ =	strace $0x90000046  }
0x2a: {  	s29 =	simm.s32 $0x9;
	_ =	strace $0x80000048  }
0x2b: {  	_ =	swait.ge [sflag:s29], $0x1  }
0x2c: {  	[sflag:s29] =	ssyncadd.s32 $0xFFFFFFFF  }
0x2d: {  	_ =	strace $0x90000048  }
0x2e: {  	_ =	sfence  }
0x2f: {  	s30 =	sld [smem:$0x0];
	_ =	sdelay $0x2  }
0x30: {  	s31 =	sshll.u32 s1, $0xD;
	s1 =	sshrl.u32 s1, $0x2  }
0x31: {  	s3 =	sand.u32 $0x4000, s31;
	s1 =	sadd.s32 s1, s30  }
0x32: {  	s0 =	sor.u32 s3, s0;
	s1 =	sshll.u32 s1, $0x11  }
0x33: {  	s0 =	sor.u32 s1, s0  }
0x34: {  	s0 =	sadd.s32 $0x8F2B, s0  }
0x35: {  	[sflag:s0] =	ssyncadd.remote.s32 $0x1  }
0x36: {  	_ =	sfence.sel $0xFFFF  }
0x37: {  	[dreg:$0x0] =	wrdreg $0xFFFFFFFF;
	(pc) =	sbr.abs _section_cstart, $3  }
0x38: {  	[dreg:$0x1] =	wrdreg $0xFFFFFFFF  }
0x39: {  	_ =	task.clear_ibuf [dreg:s7], $0x2FFFF;
	_ =	strace $0x9FFFFFFF  }
0x3a: {  	(tm) =	ssettm $0x7FFFFFFF  }
0x3b: {  	_ =	shalt  }
tec
execute0_lowered:
.L_overlay_start_1:
0x0: {  	(tag) =	ssettag $0x1  }
0x1: {  	s5 =	stileid.u32;
	s4 =	rddreg [dreg:$0x0]  }
0x2: {  	s0 =	srdreg.scid;
	s2 =	rddreg [dreg:$0x1]  }
0x3: {  	_ =	strace $0x80000047;
	s6 =	simm.s32 $0x1;
	s7 =	simm.s32 $0x2  }
0x4: {  	s16 =	simm.s32 $0x0;
	s9 =	simm.s32 $0x40000;
	s10 =	simm.s32 $0x0  }
0x5: {  	s17 =	simm.s32 $0x0;
	s1 =	sshll.u32 s5, $0x1;
	s0 =	sshll.u32 s0, $0x5  }
0x6: {  	s19 =	simm.s32 $0x0;
	s18 =	simm.s32 $0x0;
	s0 =	sor.u32 s1, s0  }
0x7: {  	s11 =	simm.s32 $0x0;
	s12 =	simm.s32 $0x0;
	s3 =	sand.u32 $0x38, s0  }
0x8: {  	s15 =	simm.s32 $0x0;
	s25 =	simm.s32 $0x0;
	s0 =	ssub.s32 $0x200, s3  }
.Ltmp0:
0x9: {  	s4 =	sadd.s32 $0x800, s4;
	s31 =	sand.u32 $0x38, s0;
	(pc) =	sbr.rel .LBB1_1-.Ltmp0, $4  }
0xa: {  	s5 =	sand.u32 $0x3, s5;
	s1 =	simm.s32 $0x1;
	p0 =	sne.s32 s31, $0x0  }
0xb: {  	[sflag:s6] =	ssyncpa.u1 $0x0;
	s0 =	sshrl.u32 s0, $0x6;
	s1 =	simm.s32 @!p0 $0x0  }
0xc: {  	[sflag:s7] =	ssyncpa.u1 $0x0;
	s14 =	smov.u32 s5;
	s0 =	sadd.s32 s1, s0  }
0xd: {  	s13 =	smov.u32 s3;
	s7 =	sshll.u32 s0, $0x1;
	s8 =	sshllo.u32 s0, $0x1  }
.LBB1_7:
0xe: {  	s0 =	sadd.s32 $0x100, s11  }
0xf: {  	s1 =	sadd.s32 $0x8, s12;
	s20 =	smov.u32 s12;
	p1 =	sgt.s32 s0, $0x1FF  }
0x10: {  	s20 =	smov.u32 @p1 s1  }
0x11: {  	s21 =	smov.u32 s13;
	s1 =	sadd.s32 $0x40, s13;
	p2 =	sgt.s32 s20, $0x7  }
0x12: {  	s21 =	smov.u32 @p2 s1  }
0x13: {  	s22 =	smov.u32 s14;
	s1 =	sadd.s32 $0x4, s14;
	p3 =	sgt.s32 s21, $0x1FF  }
0x14: {  	p0 =	slt.u32 s15, $0x2;
	s22 =	smov.u32 @p3 s1  }
0x15: {  	s16 =	smov.u32 s11;
	s0 =	simm.s32 @p1 $0x0;
	p1 =	sgt.s32 s22, $0x3  }
0x16: {  	s17 =	smov.u32 s12;
	s22 =	smov.u32 @p1 s5;
	p1 =	sne.s32 s15, s8  }
.Ltmp1:
0x17: {  	s19 =	smov.u32 s13;
	s18 =	smov.u32 s14;
	(pc) =	sbr.rel @!p1 .LBB1_8-.Ltmp1, $4  }
0x18: {  	s10 =	sadd.s32 $0x4000, s10;
	s11 =	smov.u32 s0;
	s1 =	simm.s32 @!p0 $0x2  }
0x19: {  	s20 =	simm.s32 @p2 $0x0;
	s21 =	smov.u32 @p3 s3;
	_ =	swait.ge @!p0 [sflag:s1], $0x4000  }
0x1a: {  	s12 =	smov.u32 s20;
	s13 =	smov.u32 s21;
	[sflag:s1] =	ssyncset.done @!p0 $0x0  }
0x1b: {  	s15 =	sadd.s32 $0x1, s15;
	[sflag:s1] =	ssyncadd.s32 @!p0 $0xFFFFC000;
	s14 =	smov.u32 s22  }
.LBB1_1:
0x1c: {  	p0 =	sge.u32 s15, s7  }
0x1d: {  	s31 =	sadd.s32 $0xFFFFFFFF, s15;
	s0 =	sxor.u32 @!p0 $0xFFFFFFFF, s15;
	s1 =	sshll.u32 @!p0 s11, $0x3  }
0x1e: {  	s20 =	sshll.u32 @!p0 s12, $0x7;
	s21 =	sand.u32 @!p0 $0x78, s11;
	s22 =	sshll.u32 @!p0 s14, $0x12  }
0x1f: {  	s23 =	sshll.u32 @!p0 s13, $0x9;
	s0 =	sshll.u32 @!p0 s0, $0xE;
	s20 =	sand.u32 @!p0 $0x380, s20  }
0x20: {  	s1 =	sand.u32 @!p0 $0xC00, s1;
	s0 =	sand.u32 @!p0 $0x4000, s0;
	s20 =	sor.u32 @!p0 s21, s20  }
0x21: {  	s21 =	sand.u32 @!p0 $0x7, s11;
	s1 =	sor.u32 @!p0 s1, s20;
	s20 =	sadd.s32 @!p0 s4, s22  }
0x22: {  	s21 =	sshll.u32 @!p0 s21, $0x12;
	s1 =	sshrl.u32 @!p0 s1, $0x3;
	s20 =	sadd.s32 @!p0 s23, s20  }
0x23: {  	s1 =	sadd.s32 @!p0 s1, s20;
	s20 =	sor.u32 @!p0 $0x800, s21;
	s21 =	simm.s32 @!p0 $0x1000  }
0x24: {  	[tilespmem:s0], [sflag:$0x1] =	stream.strided.gather @!p0 [hbm4b:s1+s20], $0x4000, s21, s20, $0x38;
	[tilespmem:$0x10000] =	vst v63  }
0x25: {  	p0 =	sge.u32 s31, s7  }
.Ltmp2:
0x26: {  	_ = 	snop;
	(pc) =	sbr.rel @p0 .LBB1_7-.Ltmp2, $1  }
0x27: {  	_ =	sdelay $0x3  }
0x28: {  	s0 =	sshll.u32 s10, $0x2;
	_ =	swait.ge [sflag:s6], $0x4000;
	s1 =	sshll.u32 s15, $0xE  }
0x29: {  	p0 =	por $0x0, $0x0;
	s26 =	simm.s32 $0x0;
	s27 =	simm.s32 $0x0  }
0x2a: {  	s0 =	sand.u32 $0x10000, s0;
	[sflag:s6] =	ssyncset.done $0x0;
	s23 =	sand.u32 $0x4000, s1  }
0x2b: {  	s0 =	sshrl.u32 s0, $0x2;
	[sflag:s6] =	ssyncadd.s32 $0xFFFFC000;
	s20 =	sor.u32 $0x8000, s23  }
0x2c: {  	s21 =	sor.u32 $0x40, s0;
	s22 =	sor.u32 $0x8410, s0;
	s24 =	sadd.s32 $0x8400, s0  }
.LBB1_3:
0x2d: {  	v1 =	vld [tilespmem:s21+$0xFFFFFFD0]  }
0x2e: {  	v2 =	vld [tilespmem:s21+$0x430]  }
0x2f: {  	s0 =	sshll.u32 s27, $0xB;
	v4 =	vld [tilespmem:s21+$0xFFFFFFE0]  }
0x30: {  	v7 =	vld [tilespmem:s21+$0xFFFFFFF0];
	v0 =	vmov s0  }
0x31: {  	v8 =	vld [tilespmem:s21+$0x0]  }
0x32: {  	v9 =	vld [tilespmem:s21+$0x10];
	s0 =	sand.u32 $0x300, s25  }
0x33: {  	s1 =	sand.u32 $0x80, s25;
	v10 =	vld [tilespmem:s21+$0x20];
	s0 =	sadd.s32 s0, s23  }
0x34: {  	v11 =	vld [tilespmem:s21+$0x30];
	s0 =	sadd.s32 s1, s0;
	s1 =	simm.s32 $0x1;
	[tilespmem:s22+$0x60] =	vst v2  }
0x35: {  	s1 =	simm.s32 @!p0 $0x0;
	[tilespmem:s22+$0xFFFFFC00] =	vst v1;
	v3 =	vld.idx.msk [tilespmem:v0+s0+$0x400 ss:$0x1], $0xffff;
	s0 =	sshll.u32 s26, $0x2  }
0x36: {  	v6 =	vld [tilespmem:s21+$0x3D0];
	s1 =	sshll.u32 s1, $0x9;
	[tilespmem:s22+$0xFFFFFC10] =	vst v4;
	s0 =	sand.u32 $0xFFFFFC00, s0  }
0x37: {  	v5 =	vld [tilespmem:s21+$0x3E0];
	[tilespmem:s22+$0xFFFFFC20] =	vst v7;
	s0 =	sor.u32 s1, s0  }
0x38: {  	[tilespmem:s22+$0xFFFFFC30] =	vst v8;
	v4 =	vld [tilespmem:s21+$0x400];
	s0 =	sshrl.u32 s0, $0x2  }
0x39: {  	[tilespmem:s22+$0xFFFFFC40] =	vst v9;
	v1 =	vld [tilespmem:s21+$0x410];
	s28 =	sadd.s32 s0, s24  }
0x3a: {  	[tilespmem:s28+$0x0] =	vst v3;
	v3 =	vld [tilespmem:s21+$0x3F0]  }
0x3b: {  	s31 =	simm.s32 $0x100;
	[tilespmem:s22+$0xFFFFFC50] =	vst v10;
	v2 =	vld [tilespmem:s21+$0x420];
	s1 =	simm.s32 $0x80  }
0x3c: {  	s29 =	sadd.s32 $0x80, s21;
	s30 =	smov.u32 s22;
	v7 =	vld [tilespmem:s21+$0xFFFFFFC0];
	[tilespmem:s22+$0xFFFFFC60] =	vst v11;
	s0 =	sand.u32 $0x300, s1  }
.LBB1_4:
0x3d: {  	p1 =	sne.s32 s31, $0x380;
	v8 =	vld [tilespmem:s29+$0xFFFFFFD0];
	s1 =	sand.u32 $0x80, s1;
	s0 =	sadd.s32 s0, s23;
	[tilespmem:s30+$0x0] =	vst v6  }
0x3e: {  	s0 =	sadd.s32 s1, s0;
	v6 =	vld [tilespmem:s29+$0x430];
	[tilespmem:s30+$0x10] =	vst v5;
	s1 =	smov.u32 s31  }
0x3f: {  	v5 =	vld.idx.msk [tilespmem:v0+s0+$0x400 ss:$0x1], $0xffff;
	[tilespmem:s30+$0x20] =	vst v3  }
0x40: {  	v3 =	vld [tilespmem:s29+$0xFFFFFFE0];
	[tilespmem:s30+$0x30] =	vst v4  }
0x41: {  	v4 =	vld [tilespmem:s29+$0xFFFFFFF0];
	[tilespmem:s30+$0xFFFFFBF0] =	vst v7  }
0x42: {  	v7 =	vld [tilespmem:s29+$0x0];
	[tilespmem:s30+$0x40] =	vst v1  }
0x43: {  	v1 =	vld [tilespmem:s29+$0x10];
	[tilespmem:s30+$0x50] =	vst v2;
	s30 =	sadd.s32 $0x800, s30  }
0x44: {  	s28 =	sadd.s32 $0x800, s28;
	v2 =	vld [tilespmem:s29+$0x20];
	[tilespmem:s30+$0x60] =	vst v6  }
0x45: {  	v9 =	vld [tilespmem:s29+$0x30];
	[tilespmem:s28+$0x0] =	vst v5  }
0x46: {  	[tilespmem:s30+$0xFFFFFC00] =	vst v8;
	v6 =	vld [tilespmem:s29+$0x3D0]  }
0x47: {  	[tilespmem:s30+$0xFFFFFC10] =	vst v3;
	v5 =	vld [tilespmem:s29+$0x3E0]  }
.Ltmp3:
0x48: {  	[tilespmem:s30+$0xFFFFFC20] =	vst v4;
	v3 =	vld [tilespmem:s29+$0x3F0];
	(pc) =	sbr.rel @p1 .LBB1_4-.Ltmp3, $4  }
0x49: {  	[tilespmem:s30+$0xFFFFFC30] =	vst v7;
	v4 =	vld [tilespmem:s29+$0x400]  }
0x4a: {  	[tilespmem:s30+$0xFFFFFC40] =	vst v1;
	v1 =	vld [tilespmem:s29+$0x410]  }
0x4b: {  	[tilespmem:s30+$0xFFFFFC50] =	vst v2;
	v2 =	vld [tilespmem:s29+$0x420]  }
0x4c: {  	s31 =	sadd.s32 $0x80, s31;
	s0 =	sand.u32 $0x300, s1;
	v7 =	vld [tilespmem:s29+$0xFFFFFFC0];
	[tilespmem:s30+$0xFFFFFC60] =	vst v9;
	s29 =	sadd.s32 $0x80, s29  }
0x4d: {  	[tilespmem:s30+$0x0] =	vst v6  }
0x4e: {  	[tilespmem:s30+$0x10] =	vst v5  }
0x4f: {  	v49 =	vld [tilespmem:s29+$0x430];
	[tilespmem:s30+$0x20] =	vst v3  }
0x50: {  	v50 =	vld [tilespmem:s29+$0xFFFFFFD0];
	[tilespmem:s30+$0x30] =	vst v4  }
0x51: {  	v51 =	vld [tilespmem:s29+$0xFFFFFFE0];
	[tilespmem:s30+$0x40] =	vst v1  }
0x52: {  	v52 =	vld [tilespmem:s29+$0xFFFFFFF0];
	[tilespmem:s30+$0x50] =	vst v2  }
0x53: {  	v53 =	vld [tilespmem:s29+$0x0];
	[tilespmem:s30+$0xFFFFFBF0] =	vst v7;
	s30 =	sadd.s32 $0x800, s30  }
0x54: {  	v54 =	vld [tilespmem:s29+$0x10];
	[tilespmem:s30+$0x60] =	vst v49  }
0x55: {  	v55 =	vld [tilespmem:s29+$0x20];
	[tilespmem:s30+$0xFFFFFC00] =	vst v50  }
0x56: {  	v56 =	vld [tilespmem:s29+$0x30];
	[tilespmem:s30+$0xFFFFFC10] =	vst v51  }
0x57: {  	v57 =	vld [tilespmem:s29+$0x3D0];
	[tilespmem:s30+$0xFFFFFC20] =	vst v52  }
0x58: {  	v58 =	vld [tilespmem:s29+$0x3E0];
	[tilespmem:s30+$0xFFFFFC30] =	vst v53  }
0x59: {  	v59 =	vld [tilespmem:s29+$0x3F0];
	[tilespmem:s30+$0xFFFFFC40] =	vst v54  }
0x5a: {  	v60 =	vld [tilespmem:s29+$0x400];
	[tilespmem:s30+$0xFFFFFC50] =	vst v55  }
0x5b: {  	v61 =	vld [tilespmem:s29+$0xFFFFFFC0];
	[tilespmem:s30+$0xFFFFFC60] =	vst v56  }
0x5c: {  	s1 =	sand.u32 $0x80, s1;
	s0 =	sadd.s32 s0, s23;
	v62 =	vld [tilespmem:s29+$0x410];
	[tilespmem:s30+$0x0] =	vst v57  }
0x5d: {  	v63 =	vld [tilespmem:s29+$0x420];
	s27 =	sadd.s32 $0x1, s27;
	s0 =	sadd.s32 s1, s0;
	[tilespmem:s30+$0x10] =	vst v58  }
0x5e: {  	p1 =	sne.s32 s27, $0x8;
	v0 =	vld.idx.msk [tilespmem:v0+s0+$0x400 ss:$0x1], $0xffff;
	[tilespmem:s30+$0x20] =	vst v59  }
.Ltmp4:
0x5f: {  	[tilespmem:s30+$0x30] =	vst v60;
	(pc) =	sbr.rel @p1 .LBB1_3-.Ltmp4, $4  }
0x60: {  	[tilespmem:s30+$0xFFFFFBF0] =	vst v61  }
0x61: {  	[tilespmem:s30+$0x40] =	vst v62  }
0x62: {  	s31 =	sadd.s32 $0x800, s28;
	s21 =	sadd.s32 $0x800, s21;
	[tilespmem:s30+$0x50] =	vst v63  }
0x63: {  	s26 =	sadd.s32 $0x80, s26;
	p0 =	por !p0, !p0;
	s22 =	sadd.s32 $0x80, s22;
	[tilespmem:s31+$0x0] =	vst v0  }
0x64: {  	s0 =	sand.u32 $0x78, s16  }
0x65: {  	s1 =	sshll.u32 s19, $0x9;
	s21 =	sshll.u32 s16, $0x3;
	s28 =	sshll.u32 s19, $0x7  }
0x66: {  	s18 =	sshll.u32 s18, $0x12;
	s17 =	sshll.u32 s17, $0xF;
	s30 =	sand.u32 $0x7, s16  }
0x67: {  	s1 =	sand.u32 $0x3F000, s1;
	s21 =	sand.u32 $0x3FC00, s21;
	s29 =	sand.u32 $0x200, s28  }
0x68: {  	s19 =	sand.u32 $0x180, s28;
	s18 =	sadd.s32 s2, s18;
	s1 =	sadd.s32 s1, s21  }
.Ltmp5:
0x69: {  	s0 =	sor.u32 s19, s0;
	s1 =	sor.u32 s29, s1;
	(pc) =	sbr.rel .LBB1_7-.Ltmp5, $4  }
0x6a: {  	s17 =	sadd.s32 s17, s18;
	s0 =	sshrl.u32 s0, $0x3;
	s1 =	sshrl.u32 s1, $0x3  }
0x6b: {  	s16 =	sshll.u32 s30, $0x12;
	s0 =	sadd.s32 s0, s17;
	s1 =	sand.u32 $0x7FC0, s1  }
0x6c: {  	s31 =	sor.u32 $0x800, s16;
	s0 =	sadd.s32 s1, s0  }
0x6d: {  	[hbm4b:s0+s31] =	stream.strided.scatter [tilespmem:s20], [sflag:$0x2], $0x4000, s9, s31, $0x38;
	[tilespmem:$0x10000] =	vst v63  }
.LBB1_8:
0x6e: {  	_ =	sfence.sel $0x180000  }
0x6f: {  	s0 =	simm.s32 $0x1;
	[bflag:$0x0] =	sbarrier.arrive $0xFFFF  }
0x70: {  	s30 =	simm.s32 $0x2;
	[sflag:s0] =	ssyncpa.u1 $0x1  }
0x71: {  	[sflag:s30] =	ssyncpa.u1 $0x1  }
0x72: {  	_ =	strace $0x90000047  }
0x73: {  	s31 =	stileid.u32;
	[bflag:$0x2] =	sbarrier.arrive $0xFFFF  }
0x74: {  	p0 =	sne.s32 s31, $0x0;
	s0 =	rddreg [dreg:$0x2]  }
0x75: {  	s0 =	sadd.s32 @!p0 $0x100000, s0  }
0x76: {  	[sflag:s0] =	ssyncadd.tile.s32 @!p0 $0x1;
	_ =	shalt  }
.Lfunc_end1:
_tile_overlayer_lowered:
.L_overlay_start_2:
0x77: {  	(tag) =	ssettag $0x2  }
0x78: {  	s0 =	rddreg [dreg:$0x0];
	s2 =	stileid.u32  }
0x79: {  	s1 =	rddreg [dreg:$0x1];
	p0 =	sne.s32 s2, $0x0  }
0x7a: {  	s3 =	rddreg [dreg:$0x2];
	[bflag:$0x3] =	sbarrier.arrive $0xFFFF;
	s2 =	simm.s32 @!p0 $0x1C01  }
0x7b: {  	[timem:s3], [sflag:s2] =	dma.local @!p0 [hbm:s0], s1  }
0x7c: {  	s0 =	simm.s32 @!p0 $0x1  }
0x7d: {  	_ =	swait.ge @!p0 [sflag:s0], s1  }
0x7e: {  	s1 =	ssub.s32 @!p0 $0x0, s1;
	[sflag:s0] =	ssyncset.done @!p0 $0x0  }
0x7f: {  	[sflag:s0] =	ssyncadd.s32 @!p0 s1  }
0x80: {  	[bflag:$0x3] =	sbarrier.arrive $0xFFFF  }
0x81: {  	_ =	shalt  }

</sc_bundles>
